<compile_context>
chip_gen: v7x
topology: tpu7x:2x2x1
jax: 0.10.2.dev20260603
libtpu: 0.0.44.dev20260713+nightly
codegen_flags: <defaults>
</compile_context>

<pallas_src>
import functools

import jax
import jax.numpy as jnp
from jax.experimental import pallas as pl
from jax.experimental.pallas import tpu as pltpu
from jax.experimental.pallas import tpu_sc as plsc

K = 8192
D = 32
N = 8192
RB = 256
KT = 2048
NB = N // RB
NKT = K // KT


GW = 128 // D


def _sc_gather(emb_grp, gidx):
    info = plsc.get_sparse_core_info()
    nw = info.num_cores * info.num_subcores
    bpw = N // nw
    mesh = plsc.VectorSubcoreMesh(core_axis_name="c", subcore_axis_name="s")

    @functools.partial(
        pl.kernel, mesh=mesh,
        out_type=jax.ShapeDtypeStruct((N, 128), jnp.float32),
        scratch_types=[
            pltpu.VMEM((bpw,), jnp.int32),
            pltpu.VMEM((bpw, 128), jnp.float32),
            pltpu.SemaphoreType.DMA,
        ],
    )
    def k(table_hbm, idx_hbm, out_hbm, idx_v, rows_v, sem):
        wid = jax.lax.axis_index("s") * info.num_cores + jax.lax.axis_index("c")
        base = wid * bpw
        pltpu.sync_copy(idx_hbm.at[pl.ds(base, bpw)], idx_v)
        pltpu.async_copy(table_hbm.at[idx_v], rows_v, sem).wait()
        pltpu.sync_copy(rows_v, out_hbm.at[pl.ds(base, bpw)])

    return k(emb_grp, gidx)


def _hist_kernel(tok_ref, sc_ref, hist_ref):
    i = pl.program_id(0)

    @pl.when(i == 0)
    def _init():
        hist_ref[...] = jnp.zeros_like(hist_ref)

    mini = tok_ref[0, 0, :]
    for j in range(NKT):
        ids = jax.lax.broadcasted_iota(jnp.int32, (RB, KT), 1) + j * KT
        ohf = (mini[:, None] == ids).astype(jnp.float32)
        hist_ref[j, :] += jnp.sum(ohf, axis=0)

    @pl.when(i == NB - 1)
    def _fin():
        hist = hist_ref[...]
        p = hist / jnp.sum(hist)
        perp = jnp.exp(-jnp.sum(p * jnp.log(p + 1e-10)))
        util = jnp.sum((hist > 0).astype(jnp.float32)) / K
        sc_ref[0, :] = jnp.stack([util, perp])


def _hist(token):
    return pl.pallas_call(
        _hist_kernel,
        grid=(NB,),
        in_specs=[pl.BlockSpec((1, 1, RB), lambda i: (i, 0, 0))],
        out_specs=pl.BlockSpec((1, 2), lambda i: (0, 0)),
        out_shape=jax.ShapeDtypeStruct((1, 2), jnp.float32),
        scratch_shapes=[pltpu.VMEM((NKT, KT), jnp.float32)],
    )(token)


def _st_kernel(zf_ref, zqr_ref, tok_ref, zq_ref, sc_ref, acc_ref):
    i = pl.program_id(0)

    @pl.when(i == 0)
    def _init():
        acc_ref[0] = 0.0

    zf = zf_ref[...]
    grp = zqr_ref[...]
    mini = tok_ref[0, 0, :]
    sub = (mini & (GW - 1))[:, None]
    zq = grp[:, 0:D]
    for s in range(1, GW):
        zq = jnp.where(sub == s, grp[:, s * D:(s + 1) * D], zq)

    zq_ref[...] = zf + (zq - zf)
    acc_ref[0] += jnp.sum((zq - zf) * (zq - zf))

    @pl.when(i == NB - 1)
    def _fin():
        total = acc_ref[0]
        sc_ref[0, :] = jnp.stack([1.25 * total / (N * D), total / N])


def _st(zf, zq_rows, token):
    return pl.pallas_call(
        _st_kernel,
        grid=(NB,),
        in_specs=[
            pl.BlockSpec((RB, D), lambda i: (i, 0)),
            pl.BlockSpec((RB, 128), lambda i: (i, 0)),
            pl.BlockSpec((1, 1, RB), lambda i: (i, 0, 0)),
        ],
        out_specs=[
            pl.BlockSpec((RB, D), lambda i: (i, 0)),
            pl.BlockSpec((1, 2), lambda i: (0, 0)),
        ],
        out_shape=[
            jax.ShapeDtypeStruct((N, D), jnp.float32),
            jax.ShapeDtypeStruct((1, 2), jnp.float32),
        ],
        scratch_shapes=[pltpu.SMEM((1,), jnp.float32)],
    )(zf, zq_rows, token)


def kernel(z, emb_w, embed_prob):
    del embed_prob
    zp = jnp.transpose(z, (0, 2, 3, 1))
    zf = zp.reshape(-1, D)
    dist = (jnp.sum(zf ** 2, axis=1, keepdims=True) + jnp.sum(emb_w ** 2, axis=1)
            - 2.0 * (zf @ emb_w.T))
    token = jnp.argmin(dist, axis=1).astype(jnp.int32)
    zq_rows = _sc_gather(emb_w.reshape(K // GW, 128), token >> 2)
    tok3 = token.reshape(NB, 1, RB)
    hp = _hist(tok3)
    zq, lq = _st(zf, zq_rows, tok3)
    z_q_out = jnp.transpose(zq.reshape(zp.shape), (0, 3, 1, 2))
    return (z_q_out, lq[0, 0], lq[0, 1], hp[0, 0], hp[0, 1])

# --- scband reference (transcript-rebuilt; emitter-appended) ---
"""Pipeline reference for scband-online-quantizer-17995912970295 (READ-ONLY COPY).

The authoritative reference and input builder live on the scoring server;
editing this copy changes nothing except your own understanding.
"""

import jax, jax.numpy as jnp
import numpy as np

CODEBOOK_SIZE = 8192
CODEBOOK_DIM = 32
BETA = 0.25
ALPHA = 1.0
DECAY = 0.99


def setup_inputs(seed: int = 0) -> dict:
    key = jax.random.key(seed)
    k1, k2 = jax.random.split(key)
    z = jax.random.normal(k1, (8, CODEBOOK_DIM, 32, 32), dtype=jnp.float32)
    emb_w = jax.random.uniform(k2, (CODEBOOK_SIZE, CODEBOOK_DIM), minval=-1.0 / CODEBOOK_SIZE, maxval=1.0 / CODEBOOK_SIZE, dtype=jnp.float32)
    embed_prob = jnp.zeros((CODEBOOK_SIZE,), dtype=jnp.float32)
    return {"z": z, "emb_w": emb_w, "embed_prob": embed_prob}


def reference(z, emb_w, embed_prob):
    sg = jax.lax.stop_gradient
    # permute NCHW -> NHWC and flatten
    zp = jnp.transpose(z, (0, 2, 3, 1))
    zf = zp.reshape(-1, CODEBOOK_DIM)
    # squared L2 distances to codebook entries
    d = jnp.sum(zf ** 2, axis=1, keepdims=True) + jnp.sum(emb_w ** 2, axis=1) - 2.0 * (zf @ emb_w.T)
    token = jnp.argmin(d, axis=1)
    z_q = jnp.take(emb_w, token, axis=0).reshape(zp.shape)
    loss = BETA * jnp.mean((sg(z_q) - zp) ** 2) + ALPHA * jnp.mean((z_q - sg(zp)) ** 2)
    # straight-through estimator
    z_q_st = zp + sg(z_q - zp)
    histogram = jnp.bincount(token, length=CODEBOOK_SIZE).astype(jnp.float32)
    avg_probs = histogram / jnp.sum(histogram)
    # EMA buffer update (buffer side-effect in torch; computed functionally here)
    new_embed_prob = embed_prob * DECAY + avg_probs * (1.0 - DECAY)
    # anchor sampling: per-code, feature with the largest distance
    idx_sorted = jnp.argsort(d, axis=0)
    random_feat = sg(zf)[idx_sorted[-1, :]]
    decay = jnp.exp(-(new_embed_prob * CODEBOOK_SIZE * 10.0) / (1.0 - DECAY) - 0.001)[:, None]
    new_emb_w = emb_w * (1.0 - decay) + random_feat * decay  # buffer-style codebook update (not returned, matches torch return signature)
    _ = new_emb_w
    quant_error = jnp.mean(jnp.sum((sg(z_q_st) - sg(zp)) ** 2, axis=3))
    codebook_usage_counts = jnp.sum((histogram > 0).astype(jnp.float32))
    codebook_utilization = codebook_usage_counts / CODEBOOK_SIZE
    codebook_perplexity = jnp.exp(-jnp.sum(avg_probs * jnp.log(avg_probs + 1e-10)))
    z_q_out = jnp.transpose(z_q_st, (0, 3, 1, 2))
    return (z_q_out, loss, quant_error, codebook_utilization, codebook_perplexity)

if __name__ == "__main__":
    import jax
    _d = setup_inputs()
    print(jax.jit(kernel)(*tuple(_d.values())))

</pallas_src>

<mosaic_0001>
#map = affine_map<(d0, d1) -> (0, 0)>
#map1 = affine_map<(d0, d1) -> (0)>
module attributes {stable_mosaic.version = 14 : i64} {
  func.func @k(%arg0: i32, %arg1: i32, %arg2: memref<2048x128xf32, #tpu.memory_space<hbm>>, %arg3: memref<8192xi32, #tpu.memory_space<hbm>>, %arg4: memref<8192x128xf32, #tpu.memory_space<hbm>>, %arg5: memref<256xi32, #tpu.memory_space<vmem>>, %arg6: memref<256x128xf32, #tpu.memory_space<vmem>>, %arg7: memref<!tpu.dma_semaphore, #tpu.memory_space<semaphore_mem>>) attributes {dimension_semantics = [#tpu.dimension_semantics<core_parallel>, #tpu.dimension_semantics<subcore_parallel>], iteration_bounds = array<i64: 2, 16>, scalar_prefetch = 0 : i64, scratch_operands = 3 : i64, tpu.core_type = #tpu.core_type<sc_vector_subcore>, window_params = [{transform_indices = #map}, {transform_indices = #map1}, {transform_indices = #map}]} {
    %mul3A = arith.constant 2 : i32
    %mul3A_0 = arith.muli %arg1, %mul3A : i32
    %add3A = arith.addi %mul3A_0, %arg0 : i32
    %mul3A_1 = arith.constant 256 : i32
    %mul3A_2 = arith.muli %add3A, %mul3A_1 : i32
    "tpu.region"() ({
      %run_scoped3A = tpu.sem_alloc : memref<!tpu.dma_semaphore, #tpu.memory_space<semaphore_mem>>
      %dma_start3A_7 = tpu.memref_slice %arg3[%mul3A_2] : memref<8192xi32, #tpu.memory_space<hbm>> -> memref<256xi32, #tpu.memory_space<hbm>>
      %dma_start3A_8 = tpu.memref_slice %arg3[%mul3A_2] : memref<8192xi32, #tpu.memory_space<hbm>> -> memref<256xi32, #tpu.memory_space<hbm>>
      tpu.enqueue_dma source(%dma_start3A_8 : memref<256xi32, #tpu.memory_space<hbm>>) target(%arg5 : memref<256xi32, #tpu.memory_space<vmem>>) target_semaphore(%run_scoped3A : memref<!tpu.dma_semaphore, #tpu.memory_space<semaphore_mem>>)
      %dma_wait3A_9 = tpu.memref_slice %arg3[%mul3A_2] : memref<8192xi32, #tpu.memory_space<hbm>> -> memref<256xi32, #tpu.memory_space<hbm>>
      %dma_wait3A_10 = tpu.memref_slice %arg3[%mul3A_2] : memref<8192xi32, #tpu.memory_space<hbm>> -> memref<256xi32, #tpu.memory_space<hbm>>
      tpu.wait_dma2 semaphore(%run_scoped3A : memref<!tpu.dma_semaphore, #tpu.memory_space<semaphore_mem>>) src(%dma_wait3A_10 : memref<256xi32, #tpu.memory_space<hbm>>) dst(%arg5 : memref<256xi32, #tpu.memory_space<vmem>>)
      tpu.yield
    }) : () -> ()
    %dma_start3A = arith.constant 0 : i32
    %dma_start3A_3 = arith.constant 0 : i32
    %dma_start3A_4 = tpu.memref_slice %arg2[%dma_start3A, %dma_start3A_3] : memref<2048x128xf32, #tpu.memory_space<hbm>> -> memref<2048x128xf32, #tpu.memory_space<hbm>>
    tpu.enqueue_indirect_dma source(%dma_start3A_4 : memref<2048x128xf32, #tpu.memory_space<hbm>>) target(%arg6 : memref<256x128xf32, #tpu.memory_space<vmem>>) offsets(%arg5 : memref<256xi32, #tpu.memory_space<vmem>>) semaphore(%arg7 : memref<!tpu.dma_semaphore, #tpu.memory_space<semaphore_mem>>)
    %dma_wait3A = arith.constant 0 : i32
    %dma_wait3A_5 = arith.constant 0 : i32
    %dma_wait3A_6 = tpu.memref_slice %arg2[%dma_wait3A, %dma_wait3A_5] : memref<2048x128xf32, #tpu.memory_space<hbm>> -> memref<2048x128xf32, #tpu.memory_space<hbm>>
    tpu.wait_indirect_dma semaphore(%arg7 : memref<!tpu.dma_semaphore, #tpu.memory_space<semaphore_mem>>) src(%dma_wait3A_6 : memref<2048x128xf32, #tpu.memory_space<hbm>>) dst(%arg6 : memref<256x128xf32, #tpu.memory_space<vmem>>)
    "tpu.region"() ({
      %run_scoped3A = tpu.sem_alloc : memref<!tpu.dma_semaphore, #tpu.memory_space<semaphore_mem>>
      %dma_start3A_7 = arith.constant 0 : i32
      %dma_start3A_8 = tpu.memref_slice %arg4[%mul3A_2, %dma_start3A_7] : memref<8192x128xf32, #tpu.memory_space<hbm>> -> memref<256x128xf32, #tpu.memory_space<hbm>>
      %dma_start3A_9 = arith.constant 0 : i32
      %dma_start3A_10 = tpu.memref_slice %arg4[%mul3A_2, %dma_start3A_9] : memref<8192x128xf32, #tpu.memory_space<hbm>> -> memref<256x128xf32, #tpu.memory_space<hbm>>
      tpu.enqueue_dma source(%arg6 : memref<256x128xf32, #tpu.memory_space<vmem>>) target(%dma_start3A_10 : memref<256x128xf32, #tpu.memory_space<hbm>>) target_semaphore(%run_scoped3A : memref<!tpu.dma_semaphore, #tpu.memory_space<semaphore_mem>>)
      %dma_wait3A_11 = arith.constant 0 : i32
      %dma_wait3A_12 = tpu.memref_slice %arg4[%mul3A_2, %dma_wait3A_11] : memref<8192x128xf32, #tpu.memory_space<hbm>> -> memref<256x128xf32, #tpu.memory_space<hbm>>
      %dma_wait3A_13 = arith.constant 0 : i32
      %dma_wait3A_14 = tpu.memref_slice %arg4[%mul3A_2, %dma_wait3A_13] : memref<8192x128xf32, #tpu.memory_space<hbm>> -> memref<256x128xf32, #tpu.memory_space<hbm>>
      tpu.wait_dma2 semaphore(%run_scoped3A : memref<!tpu.dma_semaphore, #tpu.memory_space<semaphore_mem>>) src(%arg6 : memref<256x128xf32, #tpu.memory_space<vmem>>) dst(%dma_wait3A_14 : memref<256x128xf32, #tpu.memory_space<hbm>>)
      tpu.yield
    }) : () -> ()
    return
  }
}

module attributes {stable_mosaic.version = 14 : i64} {
  func.func @_hist_kernel(%arg0: i32, %arg1: memref<1x1x256xi32, #tpu.memory_space<vmem>>, %arg2: memref<1x2xf32, #tpu.memory_space<vmem>>, %arg3: memref<4x2048xf32, #tpu.memory_space<vmem>>) attributes {dimension_semantics = [#tpu.dimension_semantics<arbitrary>], iteration_bounds = array<i64: 32>, scalar_prefetch = 0 : i64, scratch_operands = 1 : i64, tpu.core_type = #tpu.core_type<tc>, window_params = [{transform_indices = @transform_0, window_bounds = array<i64: 1, 1, 256>}, {pipeline_mode = #tpu.pipeline_mode<synchronous>, transform_indices = @transform_1, window_bounds = array<i64: 1, 2>}]} {
    %eq3A = arith.constant 0 : i32
    %eq3A_0 = arith.cmpi eq, %arg0, %eq3A : i32
    %convert_element_type3A = arith.extui %eq3A_0 : i1 to i32
    %cond3A = arith.constant 0 : i32
    %cond3A_1 = arith.cmpi ne, %convert_element_type3A, %cond3A : i32
    scf.if %cond3A_1 {
      %broadcast_in_dim3A_90 = arith.constant 0.000000e+00 : f32
      %broadcast_in_dim3A_91 = vector.broadcast %broadcast_in_dim3A_90 : f32 to vector<4x2048xf32>
      %swap3A_92 = arith.constant 0 : index
      %swap3A_93 = arith.constant 0 : index
      %swap3A_94 = vector.load %arg3[%swap3A_92, %swap3A_93] : memref<4x2048xf32, #tpu.memory_space<vmem>>, vector<4x2048xf32>
      tpu.vector_store %arg3[%swap3A_92, %swap3A_93], %broadcast_in_dim3A_91 {strides = array<i32>} : memref<4x2048xf32, #tpu.memory_space<vmem>>, vector<4x2048xf32>,
    } else {
    }
    %get3A = arith.constant 0 : index
    %get3A_2 = arith.constant 0 : index
    %get3A_3 = arith.constant 0 : index
    %get3A_4 = vector.load %arg1[%get3A, %get3A_2, %get3A_3] : memref<1x1x256xi32, #tpu.memory_space<vmem>>, vector<1x1x256xi32>
    %get3A_5 = vector.shape_cast %get3A_4 : vector<1x1x256xi32> to vector<256xi32>
    %iota3A = tpu.iota {dimensions = array<i32: 1>} : vector<256x2048xi32>
    %add3A = arith.constant 0 : i32
    %add3A_6 = vector.broadcast %add3A : i32 to vector<256x2048xi32>
    %add3A_7 = arith.addi %iota3A, %add3A_6 : vector<256x2048xi32>
    %broadcast_in_dim3A = vector.shape_cast %get3A_5 : vector<256xi32> to vector<256x1xi32>
    %eq3A_8 = vector.broadcast %broadcast_in_dim3A : vector<256x1xi32> to vector<256x2048xi32>
    %eq3A_9 = arith.cmpi eq, %eq3A_8, %add3A_7 : vector<256x2048xi32>
    %convert_element_type3A_10 = arith.extui %eq3A_9 : vector<256x2048xi1> to vector<256x2048xi32>
    %convert_element_type3A_11 = arith.sitofp %convert_element_type3A_10 : vector<256x2048xi32> to vector<256x2048xf32>
    %get3A_12 = arith.constant 0 : index
    %get3A_13 = arith.constant 0 : index
    %get3A_14 = vector.load %arg3[%get3A_12, %get3A_13] : memref<4x2048xf32, #tpu.memory_space<vmem>>, vector<1x2048xf32>
    %get3A_15 = vector.shape_cast %get3A_14 : vector<1x2048xf32> to vector<2048xf32>
    %reduce_sum3A = arith.constant dense<0.000000e+00> : vector<2048xf32>
    %reduce_sum3A_16 = vector.multi_reduction <add>, %convert_element_type3A_11, %reduce_sum3A [0] : vector<256x2048xf32> to vector<2048xf32>
    %add3A_17 = arith.addf %get3A_15, %reduce_sum3A_16 : vector<2048xf32>
    %swap3A = arith.constant 0 : index
    %swap3A_18 = arith.constant 0 : index
    %swap3A_19 = vector.load %arg3[%swap3A, %swap3A_18] : memref<4x2048xf32, #tpu.memory_space<vmem>>, vector<1x2048xf32>
    %swap3A_20 = vector.shape_cast %swap3A_19 : vector<1x2048xf32> to vector<2048xf32>
    %swap3A_21 = vector.shape_cast %add3A_17 : vector<2048xf32> to vector<1x2048xf32>
    tpu.vector_store %arg3[%swap3A, %swap3A_18], %swap3A_21 {strides = array<i32>} : memref<4x2048xf32, #tpu.memory_space<vmem>>, vector<1x2048xf32>,
    %iota3A_22 = tpu.iota {dimensions = array<i32: 1>} : vector<256x2048xi32>
    %add3A_23 = arith.constant 2048 : i32
    %add3A_24 = vector.broadcast %add3A_23 : i32 to vector<256x2048xi32>
    %add3A_25 = arith.addi %iota3A_22, %add3A_24 : vector<256x2048xi32>
    %broadcast_in_dim3A_26 = vector.shape_cast %get3A_5 : vector<256xi32> to vector<256x1xi32>
    %eq3A_27 = vector.broadcast %broadcast_in_dim3A_26 : vector<256x1xi32> to vector<256x2048xi32>
    %eq3A_28 = arith.cmpi eq, %eq3A_27, %add3A_25 : vector<256x2048xi32>
    %convert_element_type3A_29 = arith.extui %eq3A_28 : vector<256x2048xi1> to vector<256x2048xi32>
    %convert_element_type3A_30 = arith.sitofp %convert_element_type3A_29 : vector<256x2048xi32> to vector<256x2048xf32>
    %get3A_31 = arith.constant 1 : index
    %get3A_32 = arith.constant 0 : index
    %get3A_33 = vector.load %arg3[%get3A_31, %get3A_32] : memref<4x2048xf32, #tpu.memory_space<vmem>>, vector<1x2048xf32>
    %get3A_34 = vector.shape_cast %get3A_33 : vector<1x2048xf32> to vector<2048xf32>
    %reduce_sum3A_35 = arith.constant dense<0.000000e+00> : vector<2048xf32>
    %reduce_sum3A_36 = vector.multi_reduction <add>, %convert_element_type3A_30, %reduce_sum3A_35 [0] : vector<256x2048xf32> to vector<2048xf32>
    %add3A_37 = arith.addf %get3A_34, %reduce_sum3A_36 : vector<2048xf32>
    %swap3A_38 = arith.constant 1 : index
    %swap3A_39 = arith.constant 0 : index
    %swap3A_40 = vector.load %arg3[%swap3A_38, %swap3A_39] : memref<4x2048xf32, #tpu.memory_space<vmem>>, vector<1x2048xf32>
    %swap3A_41 = vector.shape_cast %swap3A_40 : vector<1x2048xf32> to vector<2048xf32>
    %swap3A_42 = vector.shape_cast %add3A_37 : vector<2048xf32> to vector<1x2048xf32>
    tpu.vector_store %arg3[%swap3A_38, %swap3A_39], %swap3A_42 {strides = array<i32>} : memref<4x2048xf32, #tpu.memory_space<vmem>>, vector<1x2048xf32>,
    %iota3A_43 = tpu.iota {dimensions = array<i32: 1>} : vector<256x2048xi32>
    %add3A_44 = arith.constant 4096 : i32
    %add3A_45 = vector.broadcast %add3A_44 : i32 to vector<256x2048xi32>
    %add3A_46 = arith.addi %iota3A_43, %add3A_45 : vector<256x2048xi32>
    %broadcast_in_dim3A_47 = vector.shape_cast %get3A_5 : vector<256xi32> to vector<256x1xi32>
    %eq3A_48 = vector.broadcast %broadcast_in_dim3A_47 : vector<256x1xi32> to vector<256x2048xi32>
    %eq3A_49 = arith.cmpi eq, %eq3A_48, %add3A_46 : vector<256x2048xi32>
    %convert_element_type3A_50 = arith.extui %eq3A_49 : vector<256x2048xi1> to vector<256x2048xi32>
    %convert_element_type3A_51 = arith.sitofp %convert_element_type3A_50 : vector<256x2048xi32> to vector<256x2048xf32>
    %get3A_52 = arith.constant 2 : index
    %get3A_53 = arith.constant 0 : index
    %get3A_54 = vector.load %arg3[%get3A_52, %get3A_53] : memref<4x2048xf32, #tpu.memory_space<vmem>>, vector<1x2048xf32>
    %get3A_55 = vector.shape_cast %get3A_54 : vector<1x2048xf32> to vector<2048xf32>
    %reduce_sum3A_56 = arith.constant dense<0.000000e+00> : vector<2048xf32>
    %reduce_sum3A_57 = vector.multi_reduction <add>, %convert_element_type3A_51, %reduce_sum3A_56 [0] : vector<256x2048xf32> to vector<2048xf32>
    %add3A_58 = arith.addf %get3A_55, %reduce_sum3A_57 : vector<2048xf32>
    %swap3A_59 = arith.constant 2 : index
    %swap3A_60 = arith.constant 0 : index
    %swap3A_61 = vector.load %arg3[%swap3A_59, %swap3A_60] : memref<4x2048xf32, #tpu.memory_space<vmem>>, vector<1x2048xf32>
    %swap3A_62 = vector.shape_cast %swap3A_61 : vector<1x2048xf32> to vector<2048xf32>
    %swap3A_63 = vector.shape_cast %add3A_58 : vector<2048xf32> to vector<1x2048xf32>
    tpu.vector_store %arg3[%swap3A_59, %swap3A_60], %swap3A_63 {strides = array<i32>} : memref<4x2048xf32, #tpu.memory_space<vmem>>, vector<1x2048xf32>,
    %iota3A_64 = tpu.iota {dimensions = array<i32: 1>} : vector<256x2048xi32>
    %add3A_65 = arith.constant 6144 : i32
    %add3A_66 = vector.broadcast %add3A_65 : i32 to vector<256x2048xi32>
    %add3A_67 = arith.addi %iota3A_64, %add3A_66 : vector<256x2048xi32>
    %broadcast_in_dim3A_68 = vector.shape_cast %get3A_5 : vector<256xi32> to vector<256x1xi32>
    %eq3A_69 = vector.broadcast %broadcast_in_dim3A_68 : vector<256x1xi32> to vector<256x2048xi32>
    %eq3A_70 = arith.cmpi eq, %eq3A_69, %add3A_67 : vector<256x2048xi32>
    %convert_element_type3A_71 = arith.extui %eq3A_70 : vector<256x2048xi1> to vector<256x2048xi32>
    %convert_element_type3A_72 = arith.sitofp %convert_element_type3A_71 : vector<256x2048xi32> to vector<256x2048xf32>
    %get3A_73 = arith.constant 3 : index
    %get3A_74 = arith.constant 0 : index
    %get3A_75 = vector.load %arg3[%get3A_73, %get3A_74] : memref<4x2048xf32, #tpu.memory_space<vmem>>, vector<1x2048xf32>
    %get3A_76 = vector.shape_cast %get3A_75 : vector<1x2048xf32> to vector<2048xf32>
    %reduce_sum3A_77 = arith.constant dense<0.000000e+00> : vector<2048xf32>
    %reduce_sum3A_78 = vector.multi_reduction <add>, %convert_element_type3A_72, %reduce_sum3A_77 [0] : vector<256x2048xf32> to vector<2048xf32>
    %add3A_79 = arith.addf %get3A_76, %reduce_sum3A_78 : vector<2048xf32>
    %swap3A_80 = arith.constant 3 : index
    %swap3A_81 = arith.constant 0 : index
    %swap3A_82 = vector.load %arg3[%swap3A_80, %swap3A_81] : memref<4x2048xf32, #tpu.memory_space<vmem>>, vector<1x2048xf32>
    %swap3A_83 = vector.shape_cast %swap3A_82 : vector<1x2048xf32> to vector<2048xf32>
    %swap3A_84 = vector.shape_cast %add3A_79 : vector<2048xf32> to vector<1x2048xf32>
    tpu.vector_store %arg3[%swap3A_80, %swap3A_81], %swap3A_84 {strides = array<i32>} : memref<4x2048xf32, #tpu.memory_space<vmem>>, vector<1x2048xf32>,
    %eq3A_85 = arith.constant 31 : i32
    %eq3A_86 = arith.cmpi eq, %arg0, %eq3A_85 : i32
    %convert_element_type3A_87 = arith.extui %eq3A_86 : i1 to i32
    %cond3A_88 = arith.constant 0 : i32
    %cond3A_89 = arith.cmpi ne, %convert_element_type3A_87, %cond3A_88 : i32
    scf.if %cond3A_89 {
      %get3A_90 = arith.constant 0 : index
      %get3A_91 = arith.constant 0 : index
      %get3A_92 = vector.load %arg3[%get3A_90, %get3A_91] : memref<4x2048xf32, #tpu.memory_space<vmem>>, vector<4x2048xf32>
      %reduce_sum3A_93 = vector.shape_cast %get3A_92 : vector<4x2048xf32> to vector<1x4x2048xf32>
      %reduce_sum3A_94 = arith.constant dense<0.000000e+00> : vector<1xf32>
      %reduce_sum3A_95 = vector.multi_reduction <add>, %reduce_sum3A_93, %reduce_sum3A_94 [1, 2] : vector<1x4x2048xf32> to vector<1xf32>
      %reduce_sum3A_96 = vector.shape_cast %reduce_sum3A_95 : vector<1xf32> to vector<1x1x1xf32>
      %reduce_sum3A_97 = vector.extract %reduce_sum3A_96[0, 0, 0] : f32 from vector<1x1x1xf32>
      %div3A = vector.broadcast %reduce_sum3A_97 : f32 to vector<4x2048xf32>
      %div3A_98 = arith.divf %get3A_92, %div3A : vector<4x2048xf32>
      %add3A_99 = arith.constant 1.000000e-10 : f32
      %add3A_100 = vector.broadcast %add3A_99 : f32 to vector<4x2048xf32>
      %add3A_101 = arith.addf %div3A_98, %add3A_100 : vector<4x2048xf32>
      %log3A = math.log %add3A_101 : vector<4x2048xf32>
      %mul3A = arith.mulf %div3A_98, %log3A : vector<4x2048xf32>
      %reduce_sum3A_102 = vector.shape_cast %mul3A : vector<4x2048xf32> to vector<1x4x2048xf32>
      %reduce_sum3A_103 = arith.constant dense<0.000000e+00> : vector<1xf32>
      %reduce_sum3A_104 = vector.multi_reduction <add>, %reduce_sum3A_102, %reduce_sum3A_103 [1, 2] : vector<1x4x2048xf32> to vector<1xf32>
      %reduce_sum3A_105 = vector.shape_cast %reduce_sum3A_104 : vector<1xf32> to vector<1x1x1xf32>
      %reduce_sum3A_106 = vector.extract %reduce_sum3A_105[0, 0, 0] : f32 from vector<1x1x1xf32>
      %neg3A = arith.constant 0.000000e+00 : f32
      %neg3A_107 = arith.subf %neg3A, %reduce_sum3A_106 : f32
      %exp3A = math.exp %neg3A_107 : f32
      %gt3A = arith.constant 0.000000e+00 : f32
      %gt3A_108 = vector.broadcast %gt3A : f32 to vector<4x2048xf32>
      %gt3A_109 = arith.cmpf ogt, %get3A_92, %gt3A_108 : vector<4x2048xf32>
      %convert_element_type3A_110 = arith.extui %gt3A_109 : vector<4x2048xi1> to vector<4x2048xi32>
      %convert_element_type3A_111 = arith.sitofp %convert_element_type3A_110 : vector<4x2048xi32> to vector<4x2048xf32>
      %reduce_sum3A_112 = vector.shape_cast %convert_element_type3A_111 : vector<4x2048xf32> to vector<1x4x2048xf32>
      %reduce_sum3A_113 = arith.constant dense<0.000000e+00> : vector<1xf32>
      %reduce_sum3A_114 = vector.multi_reduction <add>, %reduce_sum3A_112, %reduce_sum3A_113 [1, 2] : vector<1x4x2048xf32> to vector<1xf32>
      %reduce_sum3A_115 = vector.shape_cast %reduce_sum3A_114 : vector<1xf32> to vector<1x1x1xf32>
      %reduce_sum3A_116 = vector.extract %reduce_sum3A_115[0, 0, 0] : f32 from vector<1x1x1xf32>
      %div3A_117 = arith.constant 8.192000e+03 : f32
      %div3A_118 = arith.divf %reduce_sum3A_116, %div3A_117 : f32
      %stack3A = vector.broadcast %div3A_118 : f32 to vector<1xf32>
      %stack3A_119 = vector.broadcast %exp3A : f32 to vector<1xf32>
      %stack3A_120 = tpu.concatenate %stack3A, %stack3A_119 in 0 : vector<1xf32>, vector<1xf32> -> vector<2xf32>
      %swap3A_121 = arith.constant 0 : index
      %swap3A_122 = arith.constant 0 : index
      %swap3A_123 = vector.load %arg2[%swap3A_121, %swap3A_122] : memref<1x2xf32, #tpu.memory_space<vmem>>, vector<1x2xf32>
      %swap3A_124 = vector.shape_cast %swap3A_123 : vector<1x2xf32> to vector<2xf32>
      %swap3A_125 = vector.shape_cast %stack3A_120 : vector<2xf32> to vector<1x2xf32>
      tpu.vector_store %arg2[%swap3A_121, %swap3A_122], %swap3A_125 {strides = array<i32>} : memref<1x2xf32, #tpu.memory_space<vmem>>, vector<1x2xf32>,
    } else {
    }
    return
  }
  func.func @transform_0(%arg0: i32) -> (i32, i32, i32) {
    %c0_i32 = arith.constant 0 : i32
    %c0_i32_0 = arith.constant 0 : i32
    %c0_i32_1 = arith.constant 0 : i32
    return %arg0, %c0_i32, %c0_i32_0 : i32, i32, i32
  }
  func.func @transform_1(%arg0: i32) -> (i32, i32) {
    %c0_i32 = arith.constant 0 : i32
    %c0_i32_0 = arith.constant 0 : i32
    %c0_i32_1 = arith.constant 0 : i32
    return %c0_i32, %c0_i32_0 : i32, i32
  }
}

module attributes {stable_mosaic.version = 14 : i64} {
  func.func @_st_kernel(%arg0: i32, %arg1: memref<256x32xf32, #tpu.memory_space<vmem>>, %arg2: memref<256x128xf32, #tpu.memory_space<vmem>>, %arg3: memref<1x1x256xi32, #tpu.memory_space<vmem>>, %arg4: memref<256x32xf32, #tpu.memory_space<vmem>>, %arg5: memref<1x2xf32, #tpu.memory_space<vmem>>, %arg6: memref<1xf32, #tpu.memory_space<smem>>) attributes {dimension_semantics = [#tpu.dimension_semantics<arbitrary>], iteration_bounds = array<i64: 32>, scalar_prefetch = 0 : i64, scratch_operands = 1 : i64, tpu.core_type = #tpu.core_type<tc>, window_params = [{transform_indices = @transform_0, window_bounds = array<i64: 256, 32>}, {transform_indices = @transform_1, window_bounds = array<i64: 256, 128>}, {transform_indices = @transform_2, window_bounds = array<i64: 1, 1, 256>}, {transform_indices = @transform_3, window_bounds = array<i64: 256, 32>}, {pipeline_mode = #tpu.pipeline_mode<synchronous>, transform_indices = @transform_4, window_bounds = array<i64: 1, 2>}]} {
    %eq3A = arith.constant 0 : i32
    %eq3A_0 = arith.cmpi eq, %arg0, %eq3A : i32
    %convert_element_type3A = arith.extui %eq3A_0 : i1 to i32
    %cond3A = arith.constant 0 : i32
    %cond3A_1 = arith.cmpi ne, %convert_element_type3A, %cond3A : i32
    scf.if %cond3A_1 {
      %swap3A_52 = arith.constant 0.000000e+00 : f32
      %swap3A_53 = arith.constant 0 : index
      %swap3A_54 = memref.load %arg6[%swap3A_53] : memref<1xf32, #tpu.memory_space<smem>>
      memref.store %swap3A_52, %arg6[%swap3A_53] : memref<1xf32, #tpu.memory_space<smem>>
    } else {
    }
    %get3A = arith.constant 0 : index
    %get3A_2 = arith.constant 0 : index
    %get3A_3 = vector.load %arg1[%get3A, %get3A_2] : memref<256x32xf32, #tpu.memory_space<vmem>>, vector<256x32xf32>
    %get3A_4 = arith.constant 0 : index
    %get3A_5 = arith.constant 0 : index
    %get3A_6 = vector.load %arg2[%get3A_4, %get3A_5] : memref<256x128xf32, #tpu.memory_space<vmem>>, vector<256x128xf32>
    %get3A_7 = arith.constant 0 : index
    %get3A_8 = arith.constant 0 : index
    %get3A_9 = arith.constant 0 : index
    %get3A_10 = vector.load %arg3[%get3A_7, %get3A_8, %get3A_9] : memref<1x1x256xi32, #tpu.memory_space<vmem>>, vector<1x1x256xi32>
    %get3A_11 = vector.shape_cast %get3A_10 : vector<1x1x256xi32> to vector<256xi32>
    %and3A = arith.constant 3 : i32
    %and3A_12 = vector.broadcast %and3A : i32 to vector<256xi32>
    %and3A_13 = arith.andi %get3A_11, %and3A_12 : vector<256xi32>
    %broadcast_in_dim3A = vector.shape_cast %and3A_13 : vector<256xi32> to vector<256x1xi32>
    %slice3A = vector.extract_strided_slice %get3A_6 {offsets = [0, 0], sizes = [256, 32], strides = [1, 1]} : vector<256x128xf32> to vector<256x32xf32>
    %eq3A_14 = arith.constant 1 : i32
    %eq3A_15 = vector.broadcast %eq3A_14 : i32 to vector<256x1xi32>
    %eq3A_16 = arith.cmpi eq, %broadcast_in_dim3A, %eq3A_15 : vector<256x1xi32>
    %slice3A_17 = vector.extract_strided_slice %get3A_6 {offsets = [0, 32], sizes = [256, 32], strides = [1, 1]} : vector<256x128xf32> to vector<256x32xf32>
    %broadcast_in_dim3A_18 = vector.shape_cast %eq3A_16 : vector<256x1xi1> to vector<256x1xi1>
    %broadcast_in_dim3A_19 = vector.broadcast %broadcast_in_dim3A_18 : vector<256x1xi1> to vector<256x32xi1>
    %select_n3A = arith.select %broadcast_in_dim3A_19, %slice3A_17, %slice3A : vector<256x32xi1>, vector<256x32xf32>
    %eq3A_20 = arith.constant 2 : i32
    %eq3A_21 = vector.broadcast %eq3A_20 : i32 to vector<256x1xi32>
    %eq3A_22 = arith.cmpi eq, %broadcast_in_dim3A, %eq3A_21 : vector<256x1xi32>
    %slice3A_23 = vector.extract_strided_slice %get3A_6 {offsets = [0, 64], sizes = [256, 32], strides = [1, 1]} : vector<256x128xf32> to vector<256x32xf32>
    %broadcast_in_dim3A_24 = vector.shape_cast %eq3A_22 : vector<256x1xi1> to vector<256x1xi1>
    %broadcast_in_dim3A_25 = vector.broadcast %broadcast_in_dim3A_24 : vector<256x1xi1> to vector<256x32xi1>
    %select_n3A_26 = arith.select %broadcast_in_dim3A_25, %slice3A_23, %select_n3A : vector<256x32xi1>, vector<256x32xf32>
    %eq3A_27 = arith.constant 3 : i32
    %eq3A_28 = vector.broadcast %eq3A_27 : i32 to vector<256x1xi32>
    %eq3A_29 = arith.cmpi eq, %broadcast_in_dim3A, %eq3A_28 : vector<256x1xi32>
    %slice3A_30 = vector.extract_strided_slice %get3A_6 {offsets = [0, 96], sizes = [256, 32], strides = [1, 1]} : vector<256x128xf32> to vector<256x32xf32>
    %broadcast_in_dim3A_31 = vector.shape_cast %eq3A_29 : vector<256x1xi1> to vector<256x1xi1>
    %broadcast_in_dim3A_32 = vector.broadcast %broadcast_in_dim3A_31 : vector<256x1xi1> to vector<256x32xi1>
    %select_n3A_33 = arith.select %broadcast_in_dim3A_32, %slice3A_30, %select_n3A_26 : vector<256x32xi1>, vector<256x32xf32>
    %sub3A = arith.subf %select_n3A_33, %get3A_3 : vector<256x32xf32>
    %add3A = arith.addf %get3A_3, %sub3A : vector<256x32xf32>
    %swap3A = arith.constant 0 : index
    %swap3A_34 = arith.constant 0 : index
    %swap3A_35 = vector.load %arg4[%swap3A, %swap3A_34] : memref<256x32xf32, #tpu.memory_space<vmem>>, vector<256x32xf32>
    tpu.vector_store %arg4[%swap3A, %swap3A_34], %add3A {strides = array<i32>} : memref<256x32xf32, #tpu.memory_space<vmem>>, vector<256x32xf32>,
    %get3A_36 = arith.constant 0 : index
    %get3A_37 = memref.load %arg6[%get3A_36] : memref<1xf32, #tpu.memory_space<smem>>
    %sub3A_38 = arith.subf %select_n3A_33, %get3A_3 : vector<256x32xf32>
    %sub3A_39 = arith.subf %select_n3A_33, %get3A_3 : vector<256x32xf32>
    %mul3A = arith.mulf %sub3A_38, %sub3A_39 : vector<256x32xf32>
    %reduce_sum3A = vector.shape_cast %mul3A : vector<256x32xf32> to vector<1x256x32xf32>
    %reduce_sum3A_40 = arith.constant dense<0.000000e+00> : vector<1xf32>
    %reduce_sum3A_41 = vector.multi_reduction <add>, %reduce_sum3A, %reduce_sum3A_40 [1, 2] : vector<1x256x32xf32> to vector<1xf32>
    %reduce_sum3A_42 = vector.shape_cast %reduce_sum3A_41 : vector<1xf32> to vector<1x1x1xf32>
    %reduce_sum3A_43 = vector.extract %reduce_sum3A_42[0, 0, 0] : f32 from vector<1x1x1xf32>
    %add3A_44 = arith.addf %get3A_37, %reduce_sum3A_43 : f32
    %swap3A_45 = arith.constant 0 : index
    %swap3A_46 = memref.load %arg6[%swap3A_45] : memref<1xf32, #tpu.memory_space<smem>>
    memref.store %add3A_44, %arg6[%swap3A_45] : memref<1xf32, #tpu.memory_space<smem>>
    %eq3A_47 = arith.constant 31 : i32
    %eq3A_48 = arith.cmpi eq, %arg0, %eq3A_47 : i32
    %convert_element_type3A_49 = arith.extui %eq3A_48 : i1 to i32
    %cond3A_50 = arith.constant 0 : i32
    %cond3A_51 = arith.cmpi ne, %convert_element_type3A_49, %cond3A_50 : i32
    scf.if %cond3A_51 {
      %get3A_52 = arith.constant 0 : index
      %get3A_53 = memref.load %arg6[%get3A_52] : memref<1xf32, #tpu.memory_space<smem>>
      %mul3A_54 = arith.constant 1.250000e+00 : f32
      %mul3A_55 = arith.mulf %mul3A_54, %get3A_53 : f32
      %div3A = arith.constant 2.621440e+05 : f32
      %div3A_56 = arith.divf %mul3A_55, %div3A : f32
      %div3A_57 = arith.constant 8.192000e+03 : f32
      %div3A_58 = arith.divf %get3A_53, %div3A_57 : f32
      %stack3A = vector.broadcast %div3A_56 : f32 to vector<1xf32>
      %stack3A_59 = vector.broadcast %div3A_58 : f32 to vector<1xf32>
      %stack3A_60 = tpu.concatenate %stack3A, %stack3A_59 in 0 : vector<1xf32>, vector<1xf32> -> vector<2xf32>
      %swap3A_61 = arith.constant 0 : index
      %swap3A_62 = arith.constant 0 : index
      %swap3A_63 = vector.load %arg5[%swap3A_61, %swap3A_62] : memref<1x2xf32, #tpu.memory_space<vmem>>, vector<1x2xf32>
      %swap3A_64 = vector.shape_cast %swap3A_63 : vector<1x2xf32> to vector<2xf32>
      %swap3A_65 = vector.shape_cast %stack3A_60 : vector<2xf32> to vector<1x2xf32>
      tpu.vector_store %arg5[%swap3A_61, %swap3A_62], %swap3A_65 {strides = array<i32>} : memref<1x2xf32, #tpu.memory_space<vmem>>, vector<1x2xf32>,
    } else {
    }
    return
  }
  func.func @transform_0(%arg0: i32) -> (i32, i32) {
    %c0_i32 = arith.constant 0 : i32
    %c0_i32_0 = arith.constant 0 : i32
    return %arg0, %c0_i32 : i32, i32
  }
  func.func @transform_1(%arg0: i32) -> (i32, i32) {
    %c0_i32 = arith.constant 0 : i32
    %c0_i32_0 = arith.constant 0 : i32
    return %arg0, %c0_i32 : i32, i32
  }
  func.func @transform_2(%arg0: i32) -> (i32, i32, i32) {
    %c0_i32 = arith.constant 0 : i32
    %c0_i32_0 = arith.constant 0 : i32
    %c0_i32_1 = arith.constant 0 : i32
    return %arg0, %c0_i32, %c0_i32_0 : i32, i32, i32
  }
  func.func @transform_3(%arg0: i32) -> (i32, i32) {
    %c0_i32 = arith.constant 0 : i32
    %c0_i32_0 = arith.constant 0 : i32
    return %arg0, %c0_i32 : i32, i32
  }
  func.func @transform_4(%arg0: i32) -> (i32, i32) {
    %c0_i32 = arith.constant 0 : i32
    %c0_i32_0 = arith.constant 0 : i32
    %c0_i32_1 = arith.constant 0 : i32
    return %c0_i32, %c0_i32_0 : i32, i32
  }
}

</mosaic_0001>

<sc_bundles>
// kernel: kernel.5.cloned.1.call-start
scs
__scs_entry_jumppad:
0x0: {  	(pc) =	sbr.rel $0x88, $3  }
0x1: {  	(tag) =	ssettag $0x0;
	lr =	simm.s32 $0x1  }
0x2: {  	[smem:$0x3F9F] =	sst lr;
	_ =	strace $0xD0000000  }
0x3: {  	_ = 	snop  }
0x4: {  	_ = 	snop  }
0x5: {  	_ = 	snop  }
0x6: {  	_ = 	snop  }
0x7: {  	_ = 	snop  }
__scs_overlays_trampoline_lowered:
0x8: {  	[smem:$0x3FAE] =	sst s0  }
0x9: {  	[smem:$0x3FAF] =	sst s1  }
0xa: {  	[smem:$0x3FB0] =	sst s2  }
0xb: {  	[smem:$0x3FB1] =	sst s3  }
0xc: {  	[smem:$0x3FB2] =	sst s4  }
0xd: {  	[smem:$0x3FB3] =	sst s5  }
0xe: {  	[smem:$0x3FB4] =	sst s6  }
0xf: {  	[smem:$0x3FB5] =	sst s7  }
0x10: {  	[smem:$0x3FB6] =	sst s8  }
0x11: {  	[smem:$0x3FB7] =	sst s9;
	s0 =	simm.s32 @!p0 $0x0  }
0x12: {  	s1 =	sld [smem:$0x3F9D];
	s0 =	simm.s32 @p0 $0x1  }
0x13: {  	[smem:$0x3FB8] =	sst s0;
	s0 =	simm.s32 @!p1 $0x0  }
0x14: {  	s2 =	sld [smem:$0x3F9C];
	s0 =	simm.s32 @p1 $0x1  }
0x15: {  	[smem:$0x3FB9] =	sst s0;
	s0 =	simm.s32 @!p2 $0x0  }
0x16: {  	s3 =	sld [smem:$0x3FDB];
	s0 =	simm.s32 @p2 $0x1  }
0x17: {  	s4 =	simm.s32 $0x1BF5;
	[smem:$0x3FBB] =	sst s0  }
0x18: {  	s0 =	sld [smem:$0x3F9E];
	_ =	swait.ge [sflag:s4], $0x0  }
0x19: {  	s7 =	sld [smem:$0x3F9F]  }
0x1a: {  	s8 =	sadd.s32 $0xFFFFE003, lr  }
0x1b: {  	s9 =	sadd.s32 $0xFFFFFEF7, lr;
	s5 =	simm.s32 $0xFFFFFFFF;
	p2 =	slt.u32 s8, $0xFFFFF086  }
0x1c: {  	p1 =	slt.u32 s9, $0xF7A;
	s5 =	simm.s32 @!p2 $0x0  }
0x1d: {  	s5 =	simm.s32 @p1 $0x1;
	p0 =	seq.s32 s7, s2  }
0x1e: {  	s7 =	smul.u32 @!p0 $0xF7A, s2;
	p2 =	seq.s32 @!p0 s5, $0x0  }
0x1f: {  	s9 =	smul.u32 $0xF7A, s1;
	s8 =	simm.s32 @!p0 $0x1BF5;
	p2 =	por !p2, p0  }
0x20: {  	[sflag:s8] =	ssyncset.s32 @!p0 $0xFFFFF086;
	s6 =	sadd.s32 @!p0 s3, s7;
	s7 =	simm.s32 @!p0 $0x108  }
0x21: {  	s3 =	sadd.s32 s3, s9;
	s6 =	sadd.s32 @!p0 $0x88, s6;
	s7 =	simm.s32 @p2 $0x1082  }
0x22: {  	[simem:s7], [sflag:s8] =	dma.local @!p0 [hbm:s6], $0xF7A  }
0x23: {  	s9 =	sor.u32 $0xD0000000, s2;
	s6 =	simm.s32 $0x108;
	_ =	swait.ge @!p0 [sflag:s8], $0x0  }
0x24: {  	s3 =	sadd.s32 $0x88, s3;
	s6 =	simm.s32 @!p1 $0x1082;
	[sflag:s4] =	ssyncset.s32 $0xFFFFF086  }
0x25: {  	[simem:s6], [sflag:s4] =	dma.local [hbm:s3], $0xF7A  }
0x26: {  	[smem:$0x3F9F] =	sst s1;
	(tag) =	ssettag s2;
	_ =	strace s9  }
0x27: {  	s1 =	sld [smem:$0x3FAF]  }
0x28: {  	s2 =	sld [smem:$0x3FB0]  }
0x29: {  	s4 =	sld [smem:$0x3FB2]  }
0x2a: {  	p0 =	seq.s32 s5, $0x0;
	s5 =	sld [smem:$0x3FB3]  }
0x2b: {  	s6 =	sld [smem:$0x3FB4]  }
0x2c: {  	s7 =	sld [smem:$0x3FB5]  }
0x2d: {  	s3 =	simm.s32 $0x108;
	s8 =	sld [smem:$0x3FB6]  }
0x2e: {  	s3 =	simm.s32 @!p0 $0x1082;
	s9 =	sld [smem:$0x3FB7]  }
0x2f: {  	lr =	sadd.s32 s0, s3;
	s0 =	sld [smem:$0x3FAE]  }
0x30: {  	s3 =	sld [smem:$0x3FB1]  }
0x31: {  	[smem:$0x3FBA] =	sst s10  }
0x32: {  	s10 =	sld [smem:$0x3FB8];
	_ =	sdelay $0x3  }
0x33: {  	p0 =	seq.s32 s10, $0x1;
	s10 =	sld [smem:$0x3FBA];
	_ =	sdelay $0x3  }
0x34: {  	[smem:$0x3FBA] =	sst s10  }
0x35: {  	s10 =	sld [smem:$0x3FB9];
	_ =	sdelay $0x3  }
0x36: {  	p1 =	seq.s32 s10, $0x1;
	s10 =	sld [smem:$0x3FBA];
	_ =	sdelay $0x3  }
0x37: {  	[smem:$0x3FBA] =	sst s10  }
0x38: {  	s10 =	sld [smem:$0x3FBB]  }
0x39: {  	_ = 	snop;
	(pc) =	sbr.ind lr, $3  }
0x3a: {  	_ = 	snop  }
0x3b: {  	_ = 	snop  }
0x3c: {  	p2 =	seq.s32 s10, $0x1;
	s10 =	sld [smem:$0x3FBA]  }
0x3d: {  	_ =	shalt  }
0x3e: {  	_ =	shalt  }
0x3f: {  	_ =	shalt  }
0x40: {  	_ =	shalt  }
0x41: {  	_ =	shalt  }
0x42: {  	_ =	shalt  }
0x43: {  	_ =	shalt  }
0x44: {  	_ =	shalt  }
0x45: {  	_ =	shalt  }
0x46: {  	_ =	shalt  }
0x47: {  	_ =	shalt  }
0x48: {  	_ =	shalt  }
0x49: {  	_ =	shalt  }
0x4a: {  	_ =	shalt  }
0x4b: {  	_ =	shalt  }
0x4c: {  	_ =	shalt  }
0x4d: {  	_ =	shalt  }
0x4e: {  	_ =	shalt  }
0x4f: {  	_ =	shalt  }
0x50: {  	_ =	shalt  }
0x51: {  	_ =	shalt  }
0x52: {  	_ =	shalt  }
0x53: {  	_ =	shalt  }
0x54: {  	_ =	shalt  }
0x55: {  	_ =	shalt  }
0x56: {  	_ =	shalt  }
0x57: {  	_ =	shalt  }
0x58: {  	_ =	shalt  }
0x59: {  	_ =	shalt  }
0x5a: {  	_ =	shalt  }
0x5b: {  	_ =	shalt  }
0x5c: {  	_ =	shalt  }
0x5d: {  	_ =	shalt  }
0x5e: {  	_ =	shalt  }
0x5f: {  	_ =	shalt  }
0x60: {  	_ =	shalt  }
0x61: {  	_ =	shalt  }
0x62: {  	_ =	shalt  }
0x63: {  	_ =	shalt  }
0x64: {  	_ =	shalt  }
0x65: {  	_ =	shalt  }
0x66: {  	_ =	shalt  }
0x67: {  	_ =	shalt  }
0x68: {  	_ =	shalt  }
0x69: {  	_ =	shalt  }
0x6a: {  	_ =	shalt  }
0x6b: {  	_ =	shalt  }
0x6c: {  	_ =	shalt  }
0x6d: {  	_ =	shalt  }
0x6e: {  	_ =	shalt  }
0x6f: {  	_ =	shalt  }
0x70: {  	_ =	shalt  }
0x71: {  	_ =	shalt  }
0x72: {  	_ =	shalt  }
0x73: {  	_ =	shalt  }
0x74: {  	_ =	shalt  }
0x75: {  	_ =	shalt  }
0x76: {  	_ =	shalt  }
0x77: {  	_ =	shalt  }
0x78: {  	_ =	shalt  }
0x79: {  	_ =	shalt  }
0x7a: {  	_ =	shalt  }
0x7b: {  	_ =	shalt  }
0x7c: {  	_ =	shalt  }
0x7d: {  	_ =	shalt  }
0x7e: {  	_ =	shalt  }
0x7f: {  	_ =	shalt  }
0x80: {  	_ =	shalt  }
0x81: {  	_ =	shalt  }
0x82: {  	_ =	shalt  }
0x83: {  	_ =	shalt  }
0x84: {  	_ =	shalt  }
0x85: {  	_ =	shalt  }
0x86: {  	_ =	shalt  }
0x87: {  	_ =	shalt  }
.Lfunc_end0:
.L_simem_size_0:
called_computation_lowered:
.L_overlay_start_0:
0x88: {  	s2 =	sld [smem:$0x3FD9]  }
0x89: {  	s3 =	sld [smem:$0x3FFE];
	_ =	sdelay $0x1  }
0x8a: {  	s1 =	srdreg.scid  }
0x8b: {  	s0 =	sand.u32 $0x1, s1  }
0x8c: {  	s14 =	sshll.u32 s0, $0xA;
	s2 =	sadd.s32 s3, s2  }
0x8d: {  	s2 =	sadd.s32 s2, s14  }
0x8e: {  	[smem:$0x3FC6] =	sst s2  }
0x8f: {  	_ = 	snop  }
0x90: {  	s2 =	sld [smem:$0x3FD0];
	_ =	sdelay $0x2  }
0x91: {  	s15 =	simm.s32 $0xA;
	s4 =	simm.s32 $0x10  }
0x92: {  	[smem:s4], [sflag:s15] =	dma.local [hbm:s2], $0x1  }
0x93: {  	_ =	swait.eq [sflag:s15], $0x1  }
0x94: {  	[sflag:s15] =	ssyncset.done $0x0  }
0x95: {  	[sflag:s15] =	ssyncadd.s32 $0xFFFFFFFF  }
0x96: {  	s16 =	sld [smem:$0x10];
	(tm) =	ssettm $0x1  }
0x97: {  	s17 =	sld [smem:$0x3FFB];
	_ =	sdelay $0x3  }
0x98: {  	_ =	strace s17  }
0x99: {  	s3 =	sld [smem:$0x3FFC];
	_ =	sdelay $0x3  }
0x9a: {  	_ =	strace s3  }
0x9b: {  	s3 =	sld [smem:$0x3FFD];
	_ =	sdelay $0x3  }
0x9c: {  	_ =	strace s3  }
0x9d: {  	_ =	strace $0x8FFFFFFF  }
0x9e: {  	s18 =	sld [smem:$0x3FDB];
	_ =	sdelay $0x1  }
0x9f: {  	s19 =	simm.s32 $_scs_section_size  }
0xa0: {  	s5 =	simm.s32 $_size__tile_overlayer_lowered;
	s6 =	simm.s32 $_tile_overlayer_lowered  }
0xa1: {  	s22 =	simm.s32 $0x1BFF;
	s21 =	sshll.u32 s6, $0x1;
	s3 =	sadd.s32 s19, s18  }
0xa2: {  	s7 =	simm.s32 $0x0;
	s20 =	sshll.u32 s5, $0x1;
	s5 =	sadd.s32 s21, s3  }
0xa3: {  	[timem:s7], [sflag:s22] =	dma.local [hbm:s5], s20  }
0xa4: {  	_ =	swait.ge [sflag:s22], s20  }
0xa5: {  	s4 =	ssub.s32 $0x0, s20;
	[sflag:s22] =	ssyncset.done $0x0  }
0xa6: {  	[sflag:s22] =	ssyncadd.s32 s4;
	_ =	sdelay $0x1  }
0xa7: {  	s23 =	simm.s32 $0x1B8B  }
0xa8: {  	_ =	swait.ge [sflag:s23], $0x1  }
0xa9: {  	[sflag:s23] =	ssyncset.done $0x0  }
0xaa: {  	s25 =	simm.s32 $0x1B8E;
	s24 =	sld [smem:$0x3FFE];
	[sflag:s23] =	ssyncadd.s32 $0xFFFFFFFF  }
0xab: {  	s26 =	simm.s32 $execute0_lowered;
	[smem:$0x3FD2] =	sst s25  }
0xac: {  	s5 =	sshll.u32 s26, $0x1;
	_ =	strace $0x80000046;
	[dreg:$0x1] =	wrdreg $0xFFFFFFFF  }
0xad: {  	s28 =	simm.s32 $_size_execute0_lowered;
	s3 =	sadd.s32 s3, s5;
	[dreg:$0x0] =	wrdreg $0x0  }
0xae: {  	s5 =	sshll.u32 s28, $0x1;
	[dreg:$0x2] =	wrdreg s3  }
0xaf: {  	[dreg:$0x3] =	wrdreg s5  }
0xb0: {  	[dreg:$0x4] =	wrdreg $0xC0  }
0xb1: {  	_ =	task [dreg:s7], $0x5FFFF  }
0xb2: {  	[dreg:$0x1] =	wrdreg $0xFFFFFFFF  }
0xb3: {  	[dreg:$0x0] =	wrdreg $0x60  }
0xb4: {  	[dreg:$0x2] =	wrdreg s24  }
0xb5: {  	[dreg:$0x3] =	wrdreg s16  }
0xb6: {  	[dreg:$0x4] =	wrdreg $0x9  }
0xb7: {  	_ =	task.clear_ibuf [dreg:s7], $0x5FFFF;
	_ =	strace $0x90000046  }
0xb8: {  	s29 =	simm.s32 $0x9;
	_ =	strace $0x80000048  }
0xb9: {  	_ =	swait.ge [sflag:s29], $0x1  }
0xba: {  	[sflag:s29] =	ssyncadd.s32 $0xFFFFFFFF  }
0xbb: {  	_ =	strace $0x90000048  }
0xbc: {  	_ =	sfence  }
0xbd: {  	s30 =	sld [smem:$0x0];
	_ =	sdelay $0x2  }
0xbe: {  	s31 =	sshll.u32 s1, $0xD;
	s1 =	sshrl.u32 s1, $0x2  }
0xbf: {  	s3 =	sand.u32 $0x4000, s31;
	s1 =	sadd.s32 s1, s30  }
0xc0: {  	s0 =	sor.u32 s3, s0;
	s1 =	sshll.u32 s1, $0x11  }
0xc1: {  	s0 =	sor.u32 s1, s0  }
0xc2: {  	s0 =	sadd.s32 $0x8F2B, s0  }
0xc3: {  	[sflag:s0] =	ssyncadd.remote.s32 $0x1  }
0xc4: {  	_ =	sfence.sel $0xFFFF  }
0xc5: {  	[dreg:$0x0] =	wrdreg $0xFFFFFFFF;
	(pc) =	sbr.abs _section_cstart, $3  }
0xc6: {  	[dreg:$0x1] =	wrdreg $0xFFFFFFFF  }
0xc7: {  	_ =	task.clear_ibuf [dreg:s7], $0x2FFFF;
	_ =	strace $0x9FFFFFFF  }
0xc8: {  	(tm) =	ssettm $0x7FFFFFFF  }
0xc9: {  	_ =	shalt  }
tec
execute0_lowered:
.L_overlay_start_1:
0x0: {  	(tag) =	ssettag $0x1  }
0x1: {  	s1 =	srdreg.scid;
	s5 =	rddreg [dreg:$0x0]  }
0x2: {  	s0 =	stileid.u32;
	s8 =	rddreg [dreg:$0x1];
	s6 =	sand.u32 $0x1, s1  }
0x3: {  	s2 =	simm.s32 $0x0;
	s3 =	sshll.u32 s0, $0x9;
	s4 =	sshll.u32 s6, $0x8  }
0x4: {  	[smem:$0x7FF] =	sst s2;
	s9 =	sor.u32 s4, s3  }
0x5: {  	s1 =	rddreg [dreg:$0x2];
	_ =	strace $0x80000047;
	s3 =	sshrl.u32 s9, $0x3  }
0x6: {  	s10 =	ssub.s32 $0x2, s6;
	s4 =	sadd.s32 s5, s3;
	s3 =	simm.s32 $0x2  }
0x7: {  	[tilespmem:s2], [sflag:$0x2] =	stream.linear.gather [hbm4b:s4+s2], $0x100, $0x38;
	[tilespmem:$0x8100] =	vst v63  }
0x8: {  	s7 =	simm.s32 $0x1;
	s11 =	sshrl.u32 s10, $0x1;
	_ =	swait.ge [sflag:s3], $0x100  }
0x9: {  	s6 =	simm.s32 $0x100;
	s10 =	ssub.s32 s10, s11;
	[sflag:s3] =	ssyncset.done $0x0  }
0xa: {  	s5 =	sadd.s32 $0x400, s5;
	s31 =	smax.u32 s10, $0x1;
	[sflag:s3] =	ssyncadd.s32 $0xFFFFFF00  }
0xb: {  	[tilespmem:s6], [sflag:$0x1] =	stream.indirect.gather [hbm4b:s5+s6], $0x80, s2, s6, $0xb8;
	[tilespmem:$0x8100] =	vst v63  }
0xc: {  	p0 =	sne.s32 s31, $0x1;
	_ =	swait.ge [sflag:s7], $0x8000  }
.Ltmp0:
0xd: {  	s9 =	sshll.u32 s9, $0x4;
	[sflag:s7] =	ssyncset.done $0x0;
	(pc) =	sbr.rel @!p0 .LBB2_2-.Ltmp0, $4  }
0xe: {  	s8 =	sadd.s32 s8, s9;
	[sflag:s7] =	ssyncadd.s32 $0xFFFF8000  }
0xf: {  	[hbm4b:s8+s2] =	stream.linear.scatter [tilespmem:s6], [sflag:$0x2], $0x8000, $0x38;
	[tilespmem:$0x8100] =	vst v63  }
0x10: {  	_ =	swait.ge [sflag:s3], $0x8000  }
0x11: {  	s9 =	sadd.s32 $0xFFFFFFFF, s31;
	[sflag:s3] =	ssyncset.done $0x0  }
.LBB2_1:
0x12: {  	p0 =	sne.s32 s9, $0x1;
	s9 =	sadd.s32 $0xFFFFFFFF, s9;
	[sflag:s3] =	ssyncadd.s32 $0xFFFF8000  }
0x13: {  	[tilespmem:s2], [sflag:$0x2] =	stream.linear.gather [hbm4b:s4+s2], $0x100, $0x38;
	[tilespmem:$0x8100] =	vst v63  }
0x14: {  	_ =	swait.ge [sflag:s3], $0x100  }
0x15: {  	[sflag:s3] =	ssyncset.done $0x0  }
0x16: {  	[sflag:s3] =	ssyncadd.s32 $0xFFFFFF00  }
0x17: {  	[tilespmem:s6], [sflag:$0x1] =	stream.indirect.gather [hbm4b:s5+s6], $0x80, s2, s6, $0xb8;
	[tilespmem:$0x8100] =	vst v63  }
0x18: {  	_ =	swait.ge [sflag:s7], $0x8000  }
.Ltmp1:
0x19: {  	[sflag:s7] =	ssyncset.done $0x0;
	(pc) =	sbr.rel @p0 .LBB2_1-.Ltmp1, $4  }
0x1a: {  	[sflag:s7] =	ssyncadd.s32 $0xFFFF8000  }
0x1b: {  	[hbm4b:s8+s2] =	stream.linear.scatter [tilespmem:s6], [sflag:$0x2], $0x8000, $0x38;
	[tilespmem:$0x8100] =	vst v63  }
0x1c: {  	_ =	swait.ge [sflag:s3], $0x8000  }
0x1d: {  	[sflag:s3] =	ssyncset.done $0x0  }
.LBB2_2:
0x1e: {  	[sflag:s3] =	ssyncadd.s32 $0xFFFF8000  }
0x1f: {  	_ =	sfence.sel $0x180000  }
0x20: {  	[bflag:$0x0] =	sbarrier.arrive $0xFFFF  }
0x21: {  	p0 =	sne.s32 s0, $0x0;
	_ =	strace $0x90000047  }
0x22: {  	s0 =	sadd.s32 @!p0 $0x100000, s1;
	[bflag:$0x2] =	sbarrier.arrive $0xFFFF  }
0x23: {  	[sflag:s0] =	ssyncadd.tile.s32 @!p0 $0x1;
	_ =	shalt  }
.Lfunc_end2:
_tile_overlayer_lowered:
.L_overlay_start_2:
0x24: {  	(tag) =	ssettag $0x2  }
0x25: {  	s0 =	rddreg [dreg:$0x0];
	s2 =	stileid.u32  }
0x26: {  	s1 =	rddreg [dreg:$0x1];
	p0 =	sne.s32 s2, $0x0  }
0x27: {  	s3 =	rddreg [dreg:$0x2];
	[bflag:$0x3] =	sbarrier.arrive $0xFFFF;
	s2 =	simm.s32 @!p0 $0x1C02  }
0x28: {  	[timem:s3], [sflag:s2] =	dma.local @!p0 [hbm:s0], s1  }
0x29: {  	s0 =	simm.s32 @!p0 $0x2  }
0x2a: {  	_ =	swait.ge @!p0 [sflag:s0], s1  }
0x2b: {  	s1 =	ssub.s32 @!p0 $0x0, s1;
	[sflag:s0] =	ssyncset.done @!p0 $0x0  }
0x2c: {  	[sflag:s0] =	ssyncadd.s32 @!p0 s1  }
0x2d: {  	[bflag:$0x3] =	sbarrier.arrive $0xFFFF  }
0x2e: {  	_ =	shalt  }

</sc_bundles>
